<compile_context>
chip_gen: v7x
topology: tpu7x:2x2x1
jax: 0.10.2.dev20260603
libtpu: 0.0.44.dev20260713+nightly
codegen_flags: <defaults>
</compile_context>

<pallas_src>
import jax
import jax.numpy as jnp
from jax import lax
from jax.experimental import pallas as pl
from jax.experimental.pallas import tpu as pltpu
from jax.experimental.pallas import tpu_sc as plsc

_TOTAL = 128 * 128 * 127
_GRID = 2
_SUB, _LN = _TOTAL // (_GRID * 128), 128

_NC, _NS = 2, 16
_NW = _NC * _NS
_PER_W = _TOTAL // _NW


def _tc_copy_kernel(a_in, b_in, c_in, a_out, b_out, c_out):
    a_out[...] = a_in[...]
    b_out[...] = b_in[...]
    c_out[...] = c_in[...]


def _sc_copy_body(d_in, cell_in, d_out, cell_out, buf, sems):
    wid = lax.axis_index("s") * _NC + lax.axis_index("c")
    base = wid * _PER_W
    half = _PER_W // 2

    @pl.when(wid == 0)
    def _():
        pltpu.async_copy(cell_in, cell_out, sems.at[2]).wait()

    sl0 = pl.ds(base, half)
    sl1 = pl.ds(base + half, half)
    in0 = pltpu.async_copy(d_in.at[sl0], buf.at[0], sems.at[0])
    in1 = pltpu.async_copy(d_in.at[sl1], buf.at[1], sems.at[1])
    in0.wait()
    out0 = pltpu.async_copy(buf.at[0], d_out.at[sl0], sems.at[0])
    in1.wait()
    out1 = pltpu.async_copy(buf.at[1], d_out.at[sl1], sems.at[1])
    out0.wait()
    out1.wait()


def kernel(natoms, pred_distance_displace, pred_var_displace,
           pred_distance_relaxed, pred_var_relaxed, pred_cell):
    big_spec = pl.BlockSpec((1, _SUB, _LN), lambda i: (i, 0, 0))
    big_shape = jax.ShapeDtypeStruct((_GRID, _SUB, _LN), jnp.float32)

    a = pred_distance_displace.reshape(_GRID, _SUB, _LN)
    b = pred_var_displace.reshape(_GRID, _SUB, _LN)
    c = pred_distance_relaxed.reshape(_GRID, _SUB, _LN)

    flat = jax.ShapeDtypeStruct((_TOTAL,), jnp.float32)
    sc_copy = pl.kernel(
        _sc_copy_body,
        out_type=[flat, jax.ShapeDtypeStruct((128, 9), jnp.float32)],
        mesh=plsc.VectorSubcoreMesh(core_axis_name="c", subcore_axis_name="s"),
        scratch_types=[pltpu.VMEM((2, _PER_W // 2), jnp.float32),
                       pltpu.SemaphoreType.DMA((3,))],
    )
    d_out, cell_out = sc_copy(pred_var_relaxed, pred_cell.reshape(128, 9))

    a_out, b_out, c_out = pl.pallas_call(
        _tc_copy_kernel,
        grid=(_GRID,),
        compiler_params=pltpu.CompilerParams(vmem_limit_bytes=120 * 1024 * 1024),
        in_specs=[big_spec] * 3,
        out_specs=[big_spec] * 3,
        out_shape=[big_shape] * 3,
    )(a, b, c)

    n = pred_distance_displace.shape[0]
    return (a_out.reshape(n), b_out.reshape(n), c_out.reshape(n), d_out,
            cell_out.reshape(128, 3, 3))

# --- scband reference (transcript-rebuilt; emitter-appended) ---
"""Pipeline reference for scband-decoder-24936580120613 (READ-ONLY COPY).

The authoritative reference and input builder live on the scoring server;
editing this copy changes nothing except your own understanding.
"""

import jax, jax.numpy as jnp
import numpy as np

MAX_ATOMS = 128
B = 128
TOTAL = B * MAX_ATOMS * (MAX_ATOMS - 1)


def setup_inputs(seed: int = 0) -> dict:
    key = jax.random.key(seed)
    ks = jax.random.split(key, 6)
    # natoms must be >= 2 so that reshape (n, n-1) is valid, mirroring real molecular data
    natoms = jax.random.randint(ks[0], (B,), 2, MAX_ATOMS + 1)
    pred_distance_displace = jax.random.normal(ks[1], (TOTAL,), dtype=jnp.float32)
    pred_var_displace = jax.random.uniform(ks[2], (TOTAL,), dtype=jnp.float32)
    pred_distance_relaxed = jax.random.normal(ks[3], (TOTAL,), dtype=jnp.float32)
    pred_var_relaxed = jax.random.uniform(ks[4], (TOTAL,), dtype=jnp.float32)
    pred_cell = jax.random.normal(ks[5], (B, 3, 3), dtype=jnp.float32)
    return {
        "natoms": natoms,
        "pred_distance_displace": pred_distance_displace,
        "pred_var_displace": pred_var_displace,
        "pred_distance_relaxed": pred_distance_relaxed,
        "pred_var_relaxed": pred_var_relaxed,
        "pred_cell": pred_cell,
    }


def reference(natoms, pred_distance_displace, pred_var_displace,
              pred_distance_relaxed, pred_var_relaxed, pred_cell):
    # Faithful translation of Decoder.forward (breakpoint() removed).
    # NOTE: the original never updates prev_distance_displace_index inside the
    # loop; we reproduce that behavior faithfully (each slice starts at 0).
    max_atoms = MAX_ATOMS
    rows = jnp.arange(max_atoms)[None, :, None]
    cols = jnp.arange(max_atoms - 1)[None, None, :]
    n = natoms[:, None, None]
    flat_idx = rows * (n - 1) + cols
    in_range = (rows < n) & (cols < n - 1)
    gathered = pred_var_displace[jnp.clip(flat_idx, 0, TOTAL - 1)]
    distances_as_tokens = jnp.where(in_range, gathered, 0.0).astype(jnp.float32)
    # distances_as_tokens is computed but unused in the return, as in the original
    del distances_as_tokens
    return (pred_distance_displace, pred_var_displace,
            pred_distance_relaxed, pred_var_relaxed, pred_cell)

if __name__ == "__main__":
    import jax
    _d = setup_inputs()
    print(jax.jit(kernel)(*tuple(_d.values())))

</pallas_src>

<mosaic_0001>
#map = affine_map<(d0, d1) -> (0)>
#map1 = affine_map<(d0, d1) -> (0, 0)>
module attributes {stable_mosaic.version = 14 : i64} {
  func.func @_sc_copy_body(%arg0: i32, %arg1: i32, %arg2: memref<2080768xf32, #tpu.memory_space<hbm>>, %arg3: memref<128x9xf32, #tpu.memory_space<hbm>>, %arg4: memref<2080768xf32, #tpu.memory_space<hbm>>, %arg5: memref<128x9xf32, #tpu.memory_space<hbm>>, %arg6: memref<2x32512xf32, #tpu.memory_space<vmem>>, %arg7: memref<3x!tpu.dma_semaphore, #tpu.memory_space<semaphore_mem>>) attributes {dimension_semantics = [#tpu.dimension_semantics<core_parallel>, #tpu.dimension_semantics<subcore_parallel>], iteration_bounds = array<i64: 2, 16>, scalar_prefetch = 0 : i64, scratch_operands = 2 : i64, tpu.core_type = #tpu.core_type<sc_vector_subcore>, window_params = [{transform_indices = #map}, {transform_indices = #map1}, {transform_indices = #map}, {transform_indices = #map1}]} {
    %mul3A = arith.constant 2 : i32
    %mul3A_0 = arith.muli %arg1, %mul3A : i32
    %add3A = arith.addi %mul3A_0, %arg0 : i32
    %mul3A_1 = arith.constant 65024 : i32
    %mul3A_2 = arith.muli %add3A, %mul3A_1 : i32
    %eq3A = arith.constant 0 : i32
    %eq3A_3 = arith.cmpi eq, %add3A, %eq3A : i32
    %convert_element_type3A = arith.extui %eq3A_3 : i1 to i32
    %cond3A = arith.constant 0 : i32
    %cond3A_4 = arith.cmpi ne, %convert_element_type3A, %cond3A : i32
    scf.if %cond3A_4 {
      %dma_start3A_101 = arith.constant 2 : i32
      %dma_start3A_102 = tpu.memref_slice %arg7[%dma_start3A_101] : memref<3x!tpu.dma_semaphore, #tpu.memory_space<semaphore_mem>> -> memref<1x!tpu.dma_semaphore, #tpu.memory_space<semaphore_mem>>
      %dma_start3A_103 = tpu.memref_squeeze %dma_start3A_102 : memref<1x!tpu.dma_semaphore, #tpu.memory_space<semaphore_mem>> -> memref<!tpu.dma_semaphore, #tpu.memory_space<semaphore_mem>>
      tpu.enqueue_dma source(%arg3 : memref<128x9xf32, #tpu.memory_space<hbm>>) target(%arg5 : memref<128x9xf32, #tpu.memory_space<hbm>>) target_semaphore(%dma_start3A_103 : memref<!tpu.dma_semaphore, #tpu.memory_space<semaphore_mem>>)
      %dma_wait3A_104 = arith.constant 2 : i32
      %dma_wait3A_105 = tpu.memref_slice %arg7[%dma_wait3A_104] : memref<3x!tpu.dma_semaphore, #tpu.memory_space<semaphore_mem>> -> memref<1x!tpu.dma_semaphore, #tpu.memory_space<semaphore_mem>>
      %dma_wait3A_106 = tpu.memref_squeeze %dma_wait3A_105 : memref<1x!tpu.dma_semaphore, #tpu.memory_space<semaphore_mem>> -> memref<!tpu.dma_semaphore, #tpu.memory_space<semaphore_mem>>
      tpu.wait_dma2 semaphore(%dma_wait3A_106 : memref<!tpu.dma_semaphore, #tpu.memory_space<semaphore_mem>>) src(%arg3 : memref<128x9xf32, #tpu.memory_space<hbm>>) dst(%arg5 : memref<128x9xf32, #tpu.memory_space<hbm>>)
    } else {
    }
    %add3A_5 = arith.constant 32512 : i32
    %add3A_6 = arith.addi %mul3A_2, %add3A_5 : i32
    %dma_start3A = arith.constant 0 : i32
    %dma_start3A_7 = arith.constant 0 : i32
    %dma_start3A_8 = arith.constant 0 : i32
    %dma_start3A_9 = tpu.memref_slice %arg6[%dma_start3A, %dma_start3A_8] : memref<2x32512xf32, #tpu.memory_space<vmem>> -> memref<1x32512xf32, #tpu.memory_space<vmem>>
    %dma_start3A_10 = tpu.memref_squeeze %dma_start3A_9 : memref<1x32512xf32, #tpu.memory_space<vmem>> -> memref<32512xf32, #tpu.memory_space<vmem>>
    %dma_start3A_11 = tpu.memref_slice %arg2[%mul3A_2] : memref<2080768xf32, #tpu.memory_space<hbm>> -> memref<32512xf32, #tpu.memory_space<hbm>>
    %dma_start3A_12 = tpu.memref_slice %arg7[%dma_start3A_7] : memref<3x!tpu.dma_semaphore, #tpu.memory_space<semaphore_mem>> -> memref<1x!tpu.dma_semaphore, #tpu.memory_space<semaphore_mem>>
    %dma_start3A_13 = tpu.memref_squeeze %dma_start3A_12 : memref<1x!tpu.dma_semaphore, #tpu.memory_space<semaphore_mem>> -> memref<!tpu.dma_semaphore, #tpu.memory_space<semaphore_mem>>
    %dma_start3A_14 = arith.constant 0 : i32
    %dma_start3A_15 = tpu.memref_slice %arg6[%dma_start3A, %dma_start3A_14] : memref<2x32512xf32, #tpu.memory_space<vmem>> -> memref<1x32512xf32, #tpu.memory_space<vmem>>
    %dma_start3A_16 = tpu.memref_squeeze %dma_start3A_15 : memref<1x32512xf32, #tpu.memory_space<vmem>> -> memref<32512xf32, #tpu.memory_space<vmem>>
    %dma_start3A_17 = tpu.memref_slice %arg2[%mul3A_2] : memref<2080768xf32, #tpu.memory_space<hbm>> -> memref<32512xf32, #tpu.memory_space<hbm>>
    tpu.enqueue_dma source(%dma_start3A_17 : memref<32512xf32, #tpu.memory_space<hbm>>) target(%dma_start3A_16 : memref<32512xf32, #tpu.memory_space<vmem>>) target_semaphore(%dma_start3A_13 : memref<!tpu.dma_semaphore, #tpu.memory_space<semaphore_mem>>)
    %dma_start3A_18 = arith.constant 1 : i32
    %dma_start3A_19 = arith.constant 1 : i32
    %dma_start3A_20 = arith.constant 0 : i32
    %dma_start3A_21 = tpu.memref_slice %arg6[%dma_start3A_18, %dma_start3A_20] : memref<2x32512xf32, #tpu.memory_space<vmem>> -> memref<1x32512xf32, #tpu.memory_space<vmem>>
    %dma_start3A_22 = tpu.memref_squeeze %dma_start3A_21 : memref<1x32512xf32, #tpu.memory_space<vmem>> -> memref<32512xf32, #tpu.memory_space<vmem>>
    %dma_start3A_23 = tpu.memref_slice %arg2[%add3A_6] : memref<2080768xf32, #tpu.memory_space<hbm>> -> memref<32512xf32, #tpu.memory_space<hbm>>
    %dma_start3A_24 = tpu.memref_slice %arg7[%dma_start3A_19] : memref<3x!tpu.dma_semaphore, #tpu.memory_space<semaphore_mem>> -> memref<1x!tpu.dma_semaphore, #tpu.memory_space<semaphore_mem>>
    %dma_start3A_25 = tpu.memref_squeeze %dma_start3A_24 : memref<1x!tpu.dma_semaphore, #tpu.memory_space<semaphore_mem>> -> memref<!tpu.dma_semaphore, #tpu.memory_space<semaphore_mem>>
    %dma_start3A_26 = arith.constant 0 : i32
    %dma_start3A_27 = tpu.memref_slice %arg6[%dma_start3A_18, %dma_start3A_26] : memref<2x32512xf32, #tpu.memory_space<vmem>> -> memref<1x32512xf32, #tpu.memory_space<vmem>>
    %dma_start3A_28 = tpu.memref_squeeze %dma_start3A_27 : memref<1x32512xf32, #tpu.memory_space<vmem>> -> memref<32512xf32, #tpu.memory_space<vmem>>
    %dma_start3A_29 = tpu.memref_slice %arg2[%add3A_6] : memref<2080768xf32, #tpu.memory_space<hbm>> -> memref<32512xf32, #tpu.memory_space<hbm>>
    tpu.enqueue_dma source(%dma_start3A_29 : memref<32512xf32, #tpu.memory_space<hbm>>) target(%dma_start3A_28 : memref<32512xf32, #tpu.memory_space<vmem>>) target_semaphore(%dma_start3A_25 : memref<!tpu.dma_semaphore, #tpu.memory_space<semaphore_mem>>)
    %dma_wait3A = arith.constant 0 : i32
    %dma_wait3A_30 = arith.constant 0 : i32
    %dma_wait3A_31 = arith.constant 0 : i32
    %dma_wait3A_32 = tpu.memref_slice %arg6[%dma_wait3A, %dma_wait3A_31] : memref<2x32512xf32, #tpu.memory_space<vmem>> -> memref<1x32512xf32, #tpu.memory_space<vmem>>
    %dma_wait3A_33 = tpu.memref_squeeze %dma_wait3A_32 : memref<1x32512xf32, #tpu.memory_space<vmem>> -> memref<32512xf32, #tpu.memory_space<vmem>>
    %dma_wait3A_34 = tpu.memref_slice %arg2[%mul3A_2] : memref<2080768xf32, #tpu.memory_space<hbm>> -> memref<32512xf32, #tpu.memory_space<hbm>>
    %dma_wait3A_35 = tpu.memref_slice %arg7[%dma_wait3A_30] : memref<3x!tpu.dma_semaphore, #tpu.memory_space<semaphore_mem>> -> memref<1x!tpu.dma_semaphore, #tpu.memory_space<semaphore_mem>>
    %dma_wait3A_36 = tpu.memref_squeeze %dma_wait3A_35 : memref<1x!tpu.dma_semaphore, #tpu.memory_space<semaphore_mem>> -> memref<!tpu.dma_semaphore, #tpu.memory_space<semaphore_mem>>
    %dma_wait3A_37 = arith.constant 0 : i32
    %dma_wait3A_38 = tpu.memref_slice %arg6[%dma_wait3A, %dma_wait3A_37] : memref<2x32512xf32, #tpu.memory_space<vmem>> -> memref<1x32512xf32, #tpu.memory_space<vmem>>
    %dma_wait3A_39 = tpu.memref_squeeze %dma_wait3A_38 : memref<1x32512xf32, #tpu.memory_space<vmem>> -> memref<32512xf32, #tpu.memory_space<vmem>>
    %dma_wait3A_40 = tpu.memref_slice %arg2[%mul3A_2] : memref<2080768xf32, #tpu.memory_space<hbm>> -> memref<32512xf32, #tpu.memory_space<hbm>>
    tpu.wait_dma2 semaphore(%dma_wait3A_36 : memref<!tpu.dma_semaphore, #tpu.memory_space<semaphore_mem>>) src(%dma_wait3A_40 : memref<32512xf32, #tpu.memory_space<hbm>>) dst(%dma_wait3A_39 : memref<32512xf32, #tpu.memory_space<vmem>>)
    %dma_start3A_41 = arith.constant 0 : i32
    %dma_start3A_42 = arith.constant 0 : i32
    %dma_start3A_43 = arith.constant 0 : i32
    %dma_start3A_44 = tpu.memref_slice %arg6[%dma_start3A_41, %dma_start3A_43] : memref<2x32512xf32, #tpu.memory_space<vmem>> -> memref<1x32512xf32, #tpu.memory_space<vmem>>
    %dma_start3A_45 = tpu.memref_squeeze %dma_start3A_44 : memref<1x32512xf32, #tpu.memory_space<vmem>> -> memref<32512xf32, #tpu.memory_space<vmem>>
    %dma_start3A_46 = tpu.memref_slice %arg4[%mul3A_2] : memref<2080768xf32, #tpu.memory_space<hbm>> -> memref<32512xf32, #tpu.memory_space<hbm>>
    %dma_start3A_47 = tpu.memref_slice %arg7[%dma_start3A_42] : memref<3x!tpu.dma_semaphore, #tpu.memory_space<semaphore_mem>> -> memref<1x!tpu.dma_semaphore, #tpu.memory_space<semaphore_mem>>
    %dma_start3A_48 = tpu.memref_squeeze %dma_start3A_47 : memref<1x!tpu.dma_semaphore, #tpu.memory_space<semaphore_mem>> -> memref<!tpu.dma_semaphore, #tpu.memory_space<semaphore_mem>>
    %dma_start3A_49 = tpu.memref_slice %arg4[%mul3A_2] : memref<2080768xf32, #tpu.memory_space<hbm>> -> memref<32512xf32, #tpu.memory_space<hbm>>
    %dma_start3A_50 = arith.constant 0 : i32
    %dma_start3A_51 = tpu.memref_slice %arg6[%dma_start3A_41, %dma_start3A_50] : memref<2x32512xf32, #tpu.memory_space<vmem>> -> memref<1x32512xf32, #tpu.memory_space<vmem>>
    %dma_start3A_52 = tpu.memref_squeeze %dma_start3A_51 : memref<1x32512xf32, #tpu.memory_space<vmem>> -> memref<32512xf32, #tpu.memory_space<vmem>>
    tpu.enqueue_dma source(%dma_start3A_52 : memref<32512xf32, #tpu.memory_space<vmem>>) target(%dma_start3A_49 : memref<32512xf32, #tpu.memory_space<hbm>>) target_semaphore(%dma_start3A_48 : memref<!tpu.dma_semaphore, #tpu.memory_space<semaphore_mem>>)
    %dma_wait3A_53 = arith.constant 1 : i32
    %dma_wait3A_54 = arith.constant 1 : i32
    %dma_wait3A_55 = arith.constant 0 : i32
    %dma_wait3A_56 = tpu.memref_slice %arg6[%dma_wait3A_53, %dma_wait3A_55] : memref<2x32512xf32, #tpu.memory_space<vmem>> -> memref<1x32512xf32, #tpu.memory_space<vmem>>
    %dma_wait3A_57 = tpu.memref_squeeze %dma_wait3A_56 : memref<1x32512xf32, #tpu.memory_space<vmem>> -> memref<32512xf32, #tpu.memory_space<vmem>>
    %dma_wait3A_58 = tpu.memref_slice %arg2[%add3A_6] : memref<2080768xf32, #tpu.memory_space<hbm>> -> memref<32512xf32, #tpu.memory_space<hbm>>
    %dma_wait3A_59 = tpu.memref_slice %arg7[%dma_wait3A_54] : memref<3x!tpu.dma_semaphore, #tpu.memory_space<semaphore_mem>> -> memref<1x!tpu.dma_semaphore, #tpu.memory_space<semaphore_mem>>
    %dma_wait3A_60 = tpu.memref_squeeze %dma_wait3A_59 : memref<1x!tpu.dma_semaphore, #tpu.memory_space<semaphore_mem>> -> memref<!tpu.dma_semaphore, #tpu.memory_space<semaphore_mem>>
    %dma_wait3A_61 = arith.constant 0 : i32
    %dma_wait3A_62 = tpu.memref_slice %arg6[%dma_wait3A_53, %dma_wait3A_61] : memref<2x32512xf32, #tpu.memory_space<vmem>> -> memref<1x32512xf32, #tpu.memory_space<vmem>>
    %dma_wait3A_63 = tpu.memref_squeeze %dma_wait3A_62 : memref<1x32512xf32, #tpu.memory_space<vmem>> -> memref<32512xf32, #tpu.memory_space<vmem>>
    %dma_wait3A_64 = tpu.memref_slice %arg2[%add3A_6] : memref<2080768xf32, #tpu.memory_space<hbm>> -> memref<32512xf32, #tpu.memory_space<hbm>>
    tpu.wait_dma2 semaphore(%dma_wait3A_60 : memref<!tpu.dma_semaphore, #tpu.memory_space<semaphore_mem>>) src(%dma_wait3A_64 : memref<32512xf32, #tpu.memory_space<hbm>>) dst(%dma_wait3A_63 : memref<32512xf32, #tpu.memory_space<vmem>>)
    %dma_start3A_65 = arith.constant 1 : i32
    %dma_start3A_66 = arith.constant 1 : i32
    %dma_start3A_67 = arith.constant 0 : i32
    %dma_start3A_68 = tpu.memref_slice %arg6[%dma_start3A_65, %dma_start3A_67] : memref<2x32512xf32, #tpu.memory_space<vmem>> -> memref<1x32512xf32, #tpu.memory_space<vmem>>
    %dma_start3A_69 = tpu.memref_squeeze %dma_start3A_68 : memref<1x32512xf32, #tpu.memory_space<vmem>> -> memref<32512xf32, #tpu.memory_space<vmem>>
    %dma_start3A_70 = tpu.memref_slice %arg4[%add3A_6] : memref<2080768xf32, #tpu.memory_space<hbm>> -> memref<32512xf32, #tpu.memory_space<hbm>>
    %dma_start3A_71 = tpu.memref_slice %arg7[%dma_start3A_66] : memref<3x!tpu.dma_semaphore, #tpu.memory_space<semaphore_mem>> -> memref<1x!tpu.dma_semaphore, #tpu.memory_space<semaphore_mem>>
    %dma_start3A_72 = tpu.memref_squeeze %dma_start3A_71 : memref<1x!tpu.dma_semaphore, #tpu.memory_space<semaphore_mem>> -> memref<!tpu.dma_semaphore, #tpu.memory_space<semaphore_mem>>
    %dma_start3A_73 = tpu.memref_slice %arg4[%add3A_6] : memref<2080768xf32, #tpu.memory_space<hbm>> -> memref<32512xf32, #tpu.memory_space<hbm>>
    %dma_start3A_74 = arith.constant 0 : i32
    %dma_start3A_75 = tpu.memref_slice %arg6[%dma_start3A_65, %dma_start3A_74] : memref<2x32512xf32, #tpu.memory_space<vmem>> -> memref<1x32512xf32, #tpu.memory_space<vmem>>
    %dma_start3A_76 = tpu.memref_squeeze %dma_start3A_75 : memref<1x32512xf32, #tpu.memory_space<vmem>> -> memref<32512xf32, #tpu.memory_space<vmem>>
    tpu.enqueue_dma source(%dma_start3A_76 : memref<32512xf32, #tpu.memory_space<vmem>>) target(%dma_start3A_73 : memref<32512xf32, #tpu.memory_space<hbm>>) target_semaphore(%dma_start3A_72 : memref<!tpu.dma_semaphore, #tpu.memory_space<semaphore_mem>>)
    %dma_wait3A_77 = arith.constant 0 : i32
    %dma_wait3A_78 = arith.constant 0 : i32
    %dma_wait3A_79 = arith.constant 0 : i32
    %dma_wait3A_80 = tpu.memref_slice %arg6[%dma_wait3A_77, %dma_wait3A_79] : memref<2x32512xf32, #tpu.memory_space<vmem>> -> memref<1x32512xf32, #tpu.memory_space<vmem>>
    %dma_wait3A_81 = tpu.memref_squeeze %dma_wait3A_80 : memref<1x32512xf32, #tpu.memory_space<vmem>> -> memref<32512xf32, #tpu.memory_space<vmem>>
    %dma_wait3A_82 = tpu.memref_slice %arg4[%mul3A_2] : memref<2080768xf32, #tpu.memory_space<hbm>> -> memref<32512xf32, #tpu.memory_space<hbm>>
    %dma_wait3A_83 = tpu.memref_slice %arg7[%dma_wait3A_78] : memref<3x!tpu.dma_semaphore, #tpu.memory_space<semaphore_mem>> -> memref<1x!tpu.dma_semaphore, #tpu.memory_space<semaphore_mem>>
    %dma_wait3A_84 = tpu.memref_squeeze %dma_wait3A_83 : memref<1x!tpu.dma_semaphore, #tpu.memory_space<semaphore_mem>> -> memref<!tpu.dma_semaphore, #tpu.memory_space<semaphore_mem>>
    %dma_wait3A_85 = tpu.memref_slice %arg4[%mul3A_2] : memref<2080768xf32, #tpu.memory_space<hbm>> -> memref<32512xf32, #tpu.memory_space<hbm>>
    %dma_wait3A_86 = arith.constant 0 : i32
    %dma_wait3A_87 = tpu.memref_slice %arg6[%dma_wait3A_77, %dma_wait3A_86] : memref<2x32512xf32, #tpu.memory_space<vmem>> -> memref<1x32512xf32, #tpu.memory_space<vmem>>
    %dma_wait3A_88 = tpu.memref_squeeze %dma_wait3A_87 : memref<1x32512xf32, #tpu.memory_space<vmem>> -> memref<32512xf32, #tpu.memory_space<vmem>>
    tpu.wait_dma2 semaphore(%dma_wait3A_84 : memref<!tpu.dma_semaphore, #tpu.memory_space<semaphore_mem>>) src(%dma_wait3A_88 : memref<32512xf32, #tpu.memory_space<vmem>>) dst(%dma_wait3A_85 : memref<32512xf32, #tpu.memory_space<hbm>>)
    %dma_wait3A_89 = arith.constant 1 : i32
    %dma_wait3A_90 = arith.constant 1 : i32
    %dma_wait3A_91 = arith.constant 0 : i32
    %dma_wait3A_92 = tpu.memref_slice %arg6[%dma_wait3A_89, %dma_wait3A_91] : memref<2x32512xf32, #tpu.memory_space<vmem>> -> memref<1x32512xf32, #tpu.memory_space<vmem>>
    %dma_wait3A_93 = tpu.memref_squeeze %dma_wait3A_92 : memref<1x32512xf32, #tpu.memory_space<vmem>> -> memref<32512xf32, #tpu.memory_space<vmem>>
    %dma_wait3A_94 = tpu.memref_slice %arg4[%add3A_6] : memref<2080768xf32, #tpu.memory_space<hbm>> -> memref<32512xf32, #tpu.memory_space<hbm>>
    %dma_wait3A_95 = tpu.memref_slice %arg7[%dma_wait3A_90] : memref<3x!tpu.dma_semaphore, #tpu.memory_space<semaphore_mem>> -> memref<1x!tpu.dma_semaphore, #tpu.memory_space<semaphore_mem>>
    %dma_wait3A_96 = tpu.memref_squeeze %dma_wait3A_95 : memref<1x!tpu.dma_semaphore, #tpu.memory_space<semaphore_mem>> -> memref<!tpu.dma_semaphore, #tpu.memory_space<semaphore_mem>>
    %dma_wait3A_97 = tpu.memref_slice %arg4[%add3A_6] : memref<2080768xf32, #tpu.memory_space<hbm>> -> memref<32512xf32, #tpu.memory_space<hbm>>
    %dma_wait3A_98 = arith.constant 0 : i32
    %dma_wait3A_99 = tpu.memref_slice %arg6[%dma_wait3A_89, %dma_wait3A_98] : memref<2x32512xf32, #tpu.memory_space<vmem>> -> memref<1x32512xf32, #tpu.memory_space<vmem>>
    %dma_wait3A_100 = tpu.memref_squeeze %dma_wait3A_99 : memref<1x32512xf32, #tpu.memory_space<vmem>> -> memref<32512xf32, #tpu.memory_space<vmem>>
    tpu.wait_dma2 semaphore(%dma_wait3A_96 : memref<!tpu.dma_semaphore, #tpu.memory_space<semaphore_mem>>) src(%dma_wait3A_100 : memref<32512xf32, #tpu.memory_space<vmem>>) dst(%dma_wait3A_97 : memref<32512xf32, #tpu.memory_space<hbm>>)
    return
  }
}

module attributes {stable_mosaic.version = 14 : i64} {
  func.func @_tc_copy_kernel(%arg0: i32, %arg1: memref<1x8128x128xf32, #tpu.memory_space<vmem>>, %arg2: memref<1x8128x128xf32, #tpu.memory_space<vmem>>, %arg3: memref<1x8128x128xf32, #tpu.memory_space<vmem>>, %arg4: memref<1x8128x128xf32, #tpu.memory_space<vmem>>, %arg5: memref<1x8128x128xf32, #tpu.memory_space<vmem>>, %arg6: memref<1x8128x128xf32, #tpu.memory_space<vmem>>) attributes {dimension_semantics = [#tpu.dimension_semantics<arbitrary>], iteration_bounds = array<i64: 2>, scalar_prefetch = 0 : i64, scratch_operands = 0 : i64, tpu.core_type = #tpu.core_type<tc>, window_params = [{transform_indices = @transform_0, window_bounds = array<i64: 1, 8128, 128>}, {transform_indices = @transform_1, window_bounds = array<i64: 1, 8128, 128>}, {transform_indices = @transform_2, window_bounds = array<i64: 1, 8128, 128>}, {transform_indices = @transform_3, window_bounds = array<i64: 1, 8128, 128>}, {transform_indices = @transform_4, window_bounds = array<i64: 1, 8128, 128>}, {transform_indices = @transform_5, window_bounds = array<i64: 1, 8128, 128>}]} {
    %get3A = arith.constant 0 : index
    %get3A_0 = arith.constant 0 : index
    %get3A_1 = arith.constant 0 : index
    %get3A_2 = vector.load %arg1[%get3A, %get3A_0, %get3A_1] : memref<1x8128x128xf32, #tpu.memory_space<vmem>>, vector<1x8128x128xf32>
    %swap3A = arith.constant 0 : index
    %swap3A_3 = arith.constant 0 : index
    %swap3A_4 = arith.constant 0 : index
    %swap3A_5 = vector.load %arg4[%swap3A, %swap3A_3, %swap3A_4] : memref<1x8128x128xf32, #tpu.memory_space<vmem>>, vector<1x8128x128xf32>
    tpu.vector_store %arg4[%swap3A, %swap3A_3, %swap3A_4], %get3A_2 {strides = array<i32>} : memref<1x8128x128xf32, #tpu.memory_space<vmem>>, vector<1x8128x128xf32>,
    %get3A_6 = arith.constant 0 : index
    %get3A_7 = arith.constant 0 : index
    %get3A_8 = arith.constant 0 : index
    %get3A_9 = vector.load %arg2[%get3A_6, %get3A_7, %get3A_8] : memref<1x8128x128xf32, #tpu.memory_space<vmem>>, vector<1x8128x128xf32>
    %swap3A_10 = arith.constant 0 : index
    %swap3A_11 = arith.constant 0 : index
    %swap3A_12 = arith.constant 0 : index
    %swap3A_13 = vector.load %arg5[%swap3A_10, %swap3A_11, %swap3A_12] : memref<1x8128x128xf32, #tpu.memory_space<vmem>>, vector<1x8128x128xf32>
    tpu.vector_store %arg5[%swap3A_10, %swap3A_11, %swap3A_12], %get3A_9 {strides = array<i32>} : memref<1x8128x128xf32, #tpu.memory_space<vmem>>, vector<1x8128x128xf32>,
    %get3A_14 = arith.constant 0 : index
    %get3A_15 = arith.constant 0 : index
    %get3A_16 = arith.constant 0 : index
    %get3A_17 = vector.load %arg3[%get3A_14, %get3A_15, %get3A_16] : memref<1x8128x128xf32, #tpu.memory_space<vmem>>, vector<1x8128x128xf32>
    %swap3A_18 = arith.constant 0 : index
    %swap3A_19 = arith.constant 0 : index
    %swap3A_20 = arith.constant 0 : index
    %swap3A_21 = vector.load %arg6[%swap3A_18, %swap3A_19, %swap3A_20] : memref<1x8128x128xf32, #tpu.memory_space<vmem>>, vector<1x8128x128xf32>
    tpu.vector_store %arg6[%swap3A_18, %swap3A_19, %swap3A_20], %get3A_17 {strides = array<i32>} : memref<1x8128x128xf32, #tpu.memory_space<vmem>>, vector<1x8128x128xf32>,
    return
  }
  func.func @transform_0(%arg0: i32) -> (i32, i32, i32) {
    %c0_i32 = arith.constant 0 : i32
    %c0_i32_0 = arith.constant 0 : i32
    %c0_i32_1 = arith.constant 0 : i32
    return %arg0, %c0_i32, %c0_i32_0 : i32, i32, i32
  }
  func.func @transform_1(%arg0: i32) -> (i32, i32, i32) {
    %c0_i32 = arith.constant 0 : i32
    %c0_i32_0 = arith.constant 0 : i32
    %c0_i32_1 = arith.constant 0 : i32
    return %arg0, %c0_i32, %c0_i32_0 : i32, i32, i32
  }
  func.func @transform_2(%arg0: i32) -> (i32, i32, i32) {
    %c0_i32 = arith.constant 0 : i32
    %c0_i32_0 = arith.constant 0 : i32
    %c0_i32_1 = arith.constant 0 : i32
    return %arg0, %c0_i32, %c0_i32_0 : i32, i32, i32
  }
  func.func @transform_3(%arg0: i32) -> (i32, i32, i32) {
    %c0_i32 = arith.constant 0 : i32
    %c0_i32_0 = arith.constant 0 : i32
    %c0_i32_1 = arith.constant 0 : i32
    return %arg0, %c0_i32, %c0_i32_0 : i32, i32, i32
  }
  func.func @transform_4(%arg0: i32) -> (i32, i32, i32) {
    %c0_i32 = arith.constant 0 : i32
    %c0_i32_0 = arith.constant 0 : i32
    %c0_i32_1 = arith.constant 0 : i32
    return %arg0, %c0_i32, %c0_i32_0 : i32, i32, i32
  }
  func.func @transform_5(%arg0: i32) -> (i32, i32, i32) {
    %c0_i32 = arith.constant 0 : i32
    %c0_i32_0 = arith.constant 0 : i32
    %c0_i32_1 = arith.constant 0 : i32
    return %arg0, %c0_i32, %c0_i32_0 : i32, i32, i32
  }
}

</mosaic_0001>

<sc_bundles>
// kernel: kernel.4.cloned.1.call-start
scs
__scs_entry_jumppad:
0x0: {  	(pc) =	sbr.rel $0x88, $3  }
0x1: {  	(tag) =	ssettag $0x0;
	lr =	simm.s32 $0x1  }
0x2: {  	[smem:$0x3F9C] =	sst lr;
	_ =	strace $0xD0000000  }
0x3: {  	_ = 	snop  }
0x4: {  	_ = 	snop  }
0x5: {  	_ = 	snop  }
0x6: {  	_ = 	snop  }
0x7: {  	_ = 	snop  }
__scs_overlays_trampoline_lowered:
0x8: {  	[smem:$0x3FAB] =	sst s0  }
0x9: {  	[smem:$0x3FAC] =	sst s1  }
0xa: {  	[smem:$0x3FAD] =	sst s2  }
0xb: {  	[smem:$0x3FAE] =	sst s3  }
0xc: {  	[smem:$0x3FAF] =	sst s4  }
0xd: {  	[smem:$0x3FB0] =	sst s5  }
0xe: {  	[smem:$0x3FB1] =	sst s6  }
0xf: {  	[smem:$0x3FB2] =	sst s7  }
0x10: {  	[smem:$0x3FB3] =	sst s8  }
0x11: {  	[smem:$0x3FB4] =	sst s9;
	s0 =	simm.s32 @!p0 $0x0  }
0x12: {  	s1 =	sld [smem:$0x3F9A];
	s0 =	simm.s32 @p0 $0x1  }
0x13: {  	[smem:$0x3FB5] =	sst s0;
	s0 =	simm.s32 @!p1 $0x0  }
0x14: {  	s2 =	sld [smem:$0x3F99];
	s0 =	simm.s32 @p1 $0x1  }
0x15: {  	[smem:$0x3FB6] =	sst s0;
	s0 =	simm.s32 @!p2 $0x0  }
0x16: {  	s3 =	sld [smem:$0x3FDB];
	s0 =	simm.s32 @p2 $0x1  }
0x17: {  	s4 =	simm.s32 $0x1BF5;
	[smem:$0x3FB8] =	sst s0  }
0x18: {  	s0 =	sld [smem:$0x3F9B];
	_ =	swait.ge [sflag:s4], $0x0  }
0x19: {  	s7 =	sld [smem:$0x3F9C]  }
0x1a: {  	s8 =	sadd.s32 $0xFFFFE003, lr  }
0x1b: {  	s9 =	sadd.s32 $0xFFFFFEF7, lr;
	s5 =	simm.s32 $0xFFFFFFFF;
	p2 =	slt.u32 s8, $0xFFFFF086  }
0x1c: {  	p1 =	slt.u32 s9, $0xF7A;
	s5 =	simm.s32 @!p2 $0x0  }
0x1d: {  	s5 =	simm.s32 @p1 $0x1;
	p0 =	seq.s32 s7, s2  }
0x1e: {  	s7 =	smul.u32 @!p0 $0xF7A, s2;
	p2 =	seq.s32 @!p0 s5, $0x0  }
0x1f: {  	s9 =	smul.u32 $0xF7A, s1;
	s8 =	simm.s32 @!p0 $0x1BF5;
	p2 =	por !p2, p0  }
0x20: {  	[sflag:s8] =	ssyncset.s32 @!p0 $0xFFFFF086;
	s6 =	sadd.s32 @!p0 s3, s7;
	s7 =	simm.s32 @!p0 $0x108  }
0x21: {  	s3 =	sadd.s32 s3, s9;
	s6 =	sadd.s32 @!p0 $0x88, s6;
	s7 =	simm.s32 @p2 $0x1082  }
0x22: {  	[simem:s7], [sflag:s8] =	dma.local @!p0 [hbm:s6], $0xF7A  }
0x23: {  	s9 =	sor.u32 $0xD0000000, s2;
	s6 =	simm.s32 $0x108;
	_ =	swait.ge @!p0 [sflag:s8], $0x0  }
0x24: {  	s3 =	sadd.s32 $0x88, s3;
	s6 =	simm.s32 @!p1 $0x1082;
	[sflag:s4] =	ssyncset.s32 $0xFFFFF086  }
0x25: {  	[simem:s6], [sflag:s4] =	dma.local [hbm:s3], $0xF7A  }
0x26: {  	[smem:$0x3F9C] =	sst s1;
	(tag) =	ssettag s2;
	_ =	strace s9  }
0x27: {  	s1 =	sld [smem:$0x3FAC]  }
0x28: {  	s2 =	sld [smem:$0x3FAD]  }
0x29: {  	s4 =	sld [smem:$0x3FAF]  }
0x2a: {  	p0 =	seq.s32 s5, $0x0;
	s5 =	sld [smem:$0x3FB0]  }
0x2b: {  	s6 =	sld [smem:$0x3FB1]  }
0x2c: {  	s7 =	sld [smem:$0x3FB2]  }
0x2d: {  	s3 =	simm.s32 $0x108;
	s8 =	sld [smem:$0x3FB3]  }
0x2e: {  	s3 =	simm.s32 @!p0 $0x1082;
	s9 =	sld [smem:$0x3FB4]  }
0x2f: {  	lr =	sadd.s32 s0, s3;
	s0 =	sld [smem:$0x3FAB]  }
0x30: {  	s3 =	sld [smem:$0x3FAE]  }
0x31: {  	[smem:$0x3FB7] =	sst s10  }
0x32: {  	s10 =	sld [smem:$0x3FB5];
	_ =	sdelay $0x3  }
0x33: {  	p0 =	seq.s32 s10, $0x1;
	s10 =	sld [smem:$0x3FB7];
	_ =	sdelay $0x3  }
0x34: {  	[smem:$0x3FB7] =	sst s10  }
0x35: {  	s10 =	sld [smem:$0x3FB6];
	_ =	sdelay $0x3  }
0x36: {  	p1 =	seq.s32 s10, $0x1;
	s10 =	sld [smem:$0x3FB7];
	_ =	sdelay $0x3  }
0x37: {  	[smem:$0x3FB7] =	sst s10  }
0x38: {  	s10 =	sld [smem:$0x3FB8]  }
0x39: {  	_ = 	snop;
	(pc) =	sbr.ind lr, $3  }
0x3a: {  	_ = 	snop  }
0x3b: {  	_ = 	snop  }
0x3c: {  	p2 =	seq.s32 s10, $0x1;
	s10 =	sld [smem:$0x3FB7]  }
0x3d: {  	_ =	shalt  }
0x3e: {  	_ =	shalt  }
0x3f: {  	_ =	shalt  }
0x40: {  	_ =	shalt  }
0x41: {  	_ =	shalt  }
0x42: {  	_ =	shalt  }
0x43: {  	_ =	shalt  }
0x44: {  	_ =	shalt  }
0x45: {  	_ =	shalt  }
0x46: {  	_ =	shalt  }
0x47: {  	_ =	shalt  }
0x48: {  	_ =	shalt  }
0x49: {  	_ =	shalt  }
0x4a: {  	_ =	shalt  }
0x4b: {  	_ =	shalt  }
0x4c: {  	_ =	shalt  }
0x4d: {  	_ =	shalt  }
0x4e: {  	_ =	shalt  }
0x4f: {  	_ =	shalt  }
0x50: {  	_ =	shalt  }
0x51: {  	_ =	shalt  }
0x52: {  	_ =	shalt  }
0x53: {  	_ =	shalt  }
0x54: {  	_ =	shalt  }
0x55: {  	_ =	shalt  }
0x56: {  	_ =	shalt  }
0x57: {  	_ =	shalt  }
0x58: {  	_ =	shalt  }
0x59: {  	_ =	shalt  }
0x5a: {  	_ =	shalt  }
0x5b: {  	_ =	shalt  }
0x5c: {  	_ =	shalt  }
0x5d: {  	_ =	shalt  }
0x5e: {  	_ =	shalt  }
0x5f: {  	_ =	shalt  }
0x60: {  	_ =	shalt  }
0x61: {  	_ =	shalt  }
0x62: {  	_ =	shalt  }
0x63: {  	_ =	shalt  }
0x64: {  	_ =	shalt  }
0x65: {  	_ =	shalt  }
0x66: {  	_ =	shalt  }
0x67: {  	_ =	shalt  }
0x68: {  	_ =	shalt  }
0x69: {  	_ =	shalt  }
0x6a: {  	_ =	shalt  }
0x6b: {  	_ =	shalt  }
0x6c: {  	_ =	shalt  }
0x6d: {  	_ =	shalt  }
0x6e: {  	_ =	shalt  }
0x6f: {  	_ =	shalt  }
0x70: {  	_ =	shalt  }
0x71: {  	_ =	shalt  }
0x72: {  	_ =	shalt  }
0x73: {  	_ =	shalt  }
0x74: {  	_ =	shalt  }
0x75: {  	_ =	shalt  }
0x76: {  	_ =	shalt  }
0x77: {  	_ =	shalt  }
0x78: {  	_ =	shalt  }
0x79: {  	_ =	shalt  }
0x7a: {  	_ =	shalt  }
0x7b: {  	_ =	shalt  }
0x7c: {  	_ =	shalt  }
0x7d: {  	_ =	shalt  }
0x7e: {  	_ =	shalt  }
0x7f: {  	_ =	shalt  }
0x80: {  	_ =	shalt  }
0x81: {  	_ =	shalt  }
0x82: {  	_ =	shalt  }
0x83: {  	_ =	shalt  }
0x84: {  	_ =	shalt  }
0x85: {  	_ =	shalt  }
0x86: {  	_ =	shalt  }
0x87: {  	_ =	shalt  }
.Lfunc_end0:
.L_simem_size_0:
called_computation_lowered:
.L_overlay_start_0:
0x88: {  	s2 =	sld [smem:$0x3FD9]  }
0x89: {  	s3 =	sld [smem:$0x3FFE];
	_ =	sdelay $0x1  }
0x8a: {  	s1 =	srdreg.scid  }
0x8b: {  	s0 =	sand.u32 $0x1, s1  }
0x8c: {  	s14 =	sshll.u32 s0, $0xA;
	s2 =	sadd.s32 s3, s2  }
0x8d: {  	s2 =	sadd.s32 s2, s14  }
0x8e: {  	[smem:$0x3FC3] =	sst s2  }
0x8f: {  	_ = 	snop  }
0x90: {  	s2 =	sld [smem:$0x3FD0];
	_ =	sdelay $0x2  }
0x91: {  	s4 =	simm.s32 $0xA;
	s5 =	simm.s32 $0x10;
	s15 =	sld [smem:$0x3FC6]  }
0x92: {  	[smem:s5], [sflag:s4] =	dma.local [hbm:s2], $0x1  }
0x93: {  	_ =	swait.eq [sflag:s4], $0x1  }
0x94: {  	[sflag:s4] =	ssyncset.done $0x0  }
0x95: {  	[sflag:s4] =	ssyncadd.s32 $0xFFFFFFFF  }
0x96: {  	s16 =	sld [smem:$0x13];
	(tm) =	ssettm $0x1  }
0x97: {  	s17 =	sld [smem:$0x3FFB];
	_ =	sdelay $0x3  }
0x98: {  	_ =	strace s17  }
0x99: {  	s4 =	sld [smem:$0x3FFC];
	_ =	sdelay $0x3  }
0x9a: {  	_ =	strace s4  }
0x9b: {  	s4 =	sld [smem:$0x3FFD];
	_ =	sdelay $0x3  }
0x9c: {  	_ =	strace s4  }
0x9d: {  	_ =	strace $0x8FFFFFFF  }
0x9e: {  	s18 =	sld [smem:$0x3FDB];
	_ =	sdelay $0x1  }
0x9f: {  	s19 =	simm.s32 $_scs_section_size  }
0xa0: {  	s6 =	simm.s32 $_size__tile_overlayer_lowered;
	s7 =	simm.s32 $_tile_overlayer_lowered  }
0xa1: {  	s22 =	simm.s32 $0x1BFF;
	s21 =	sshll.u32 s7, $0x1;
	s4 =	sadd.s32 s19, s18  }
0xa2: {  	s8 =	simm.s32 $0x0;
	s20 =	sshll.u32 s6, $0x1;
	s6 =	sadd.s32 s21, s4  }
0xa3: {  	[timem:s8], [sflag:s22] =	dma.local [hbm:s6], s20  }
0xa4: {  	_ =	swait.ge [sflag:s22], s20  }
0xa5: {  	s5 =	ssub.s32 $0x0, s20;
	[sflag:s22] =	ssyncset.done $0x0  }
0xa6: {  	[sflag:s22] =	ssyncadd.s32 s5;
	_ =	sdelay $0x1  }
0xa7: {  	s23 =	simm.s32 $0x1B8B  }
0xa8: {  	_ =	swait.ge [sflag:s23], $0x1  }
0xa9: {  	[sflag:s23] =	ssyncset.done $0x0  }
0xaa: {  	s25 =	simm.s32 $0x1B8E;
	s24 =	sld [smem:$0x3FFE];
	[sflag:s23] =	ssyncadd.s32 $0xFFFFFFFF  }
0xab: {  	s26 =	simm.s32 $execute0_lowered;
	[smem:$0x3FD2] =	sst s25  }
0xac: {  	s6 =	sshll.u32 s26, $0x1;
	_ =	strace $0x80000046;
	[dreg:$0x1] =	wrdreg $0xFFFFFFFF  }
0xad: {  	s28 =	simm.s32 $_size_execute0_lowered;
	s4 =	sadd.s32 s4, s6;
	[dreg:$0x0] =	wrdreg $0x0  }
0xae: {  	s6 =	sshll.u32 s28, $0x1;
	[dreg:$0x2] =	wrdreg s4  }
0xaf: {  	[dreg:$0x3] =	wrdreg s6  }
0xb0: {  	[dreg:$0x4] =	wrdreg $0xC0  }
0xb1: {  	_ =	task [dreg:s8], $0x5FFFF  }
0xb2: {  	[dreg:$0x1] =	wrdreg $0xFFFFFFFF  }
0xb3: {  	[dreg:$0x0] =	wrdreg $0x60  }
0xb4: {  	[dreg:$0x2] =	wrdreg s15  }
0xb5: {  	[dreg:$0x3] =	wrdreg s24  }
0xb6: {  	[dreg:$0x4] =	wrdreg s16  }
0xb7: {  	[dreg:$0x5] =	wrdreg $0x9  }
0xb8: {  	_ =	task.clear_ibuf [dreg:s8], $0x6FFFF;
	_ =	strace $0x90000046  }
0xb9: {  	s29 =	simm.s32 $0x9;
	_ =	strace $0x80000048  }
0xba: {  	_ =	swait.ge [sflag:s29], $0x1  }
0xbb: {  	[sflag:s29] =	ssyncadd.s32 $0xFFFFFFFF  }
0xbc: {  	_ =	strace $0x90000048  }
0xbd: {  	_ =	sfence  }
0xbe: {  	s30 =	sld [smem:$0x0];
	_ =	sdelay $0x2  }
0xbf: {  	s31 =	sshll.u32 s1, $0xD;
	s1 =	sshrl.u32 s1, $0x2  }
0xc0: {  	s3 =	sand.u32 $0x4000, s31;
	s1 =	sadd.s32 s1, s30  }
0xc1: {  	s0 =	sor.u32 s3, s0;
	s1 =	sshll.u32 s1, $0x11  }
0xc2: {  	s0 =	sor.u32 s1, s0  }
0xc3: {  	s0 =	sadd.s32 $0x8F2B, s0  }
0xc4: {  	[sflag:s0] =	ssyncadd.remote.s32 $0x1  }
0xc5: {  	_ =	sfence.sel $0xFFFF  }
0xc6: {  	[dreg:$0x0] =	wrdreg $0xFFFFFFFF;
	(pc) =	sbr.abs _section_cstart, $3  }
0xc7: {  	[dreg:$0x1] =	wrdreg $0xFFFFFFFF  }
0xc8: {  	_ =	task.clear_ibuf [dreg:s8], $0x2FFFF;
	_ =	strace $0x9FFFFFFF  }
0xc9: {  	(tm) =	ssettm $0x7FFFFFFF  }
tec
execute0_lowered:
.L_overlay_start_1:
0x0: {  	(tag) =	ssettag $0x1  }
0x1: {  	s6 =	rddreg [dreg:$0x0]  }
0x2: {  	s4 =	rddreg [dreg:$0x1]  }
0x3: {  	s1 =	srdreg.scid;
	s0 =	stileid.u32  }
0x4: {  	s8 =	rddreg [dreg:$0x2];
	s2 =	simm.s32 $0x0;
	s13 =	simm.s32 $0x0  }
0x5: {  	s3 =	sand.u32 $0x1, s1;
	s5 =	sshll.u32 s0, $0x1;
	s1 =	rddreg [dreg:$0x3]  }
0x6: {  	[smem:$0x7FF] =	sst s2;
	s7 =	sor.u32 s3, s5;
	s31 =	ssub.s32 $0x2, s3  }
0x7: {  	_ =	strace $0x80000047;
	s3 =	sadd.s32 $0xA00, s4;
	s9 =	smul.u32 $0xFE00, s7  }
0x8: {  	s4 =	sadd.s32 $0x1200, s4;
	s10 =	sshrl.u32 s31, $0x1;
	p0 =	sne.s32 s7, $0x0  }
0x9: {  	s10 =	ssub.s32 s31, s10;
	s12 =	sshll.u32 @!p0 s0, $0x6;
	s9 =	sshrl.u32 s9, $0x3  }
0xa: {  	s5 =	sadd.s32 s6, s9;
	s11 =	sadd.s32 $0xFE0, s9;
	s7 =	sadd.s32 s8, s9  }
0xb: {  	s9 =	smax.u32 s10, $0x1;
	s10 =	sor.u32 @!p0 $0x1C03, s12;
	s12 =	simm.s32 $0x2  }
0xc: {  	s6 =	sadd.s32 s6, s11;
	s8 =	sadd.s32 s8, s11;
	s11 =	simm.s32 $0x1  }
.LBB2_1:
0xd: {  	[hbm:s4], [sflag:s10] =	dma.local @!p0 [hbm:s3], $0x800  }
0xe: {  	s14 =	simm.s32 @!p0 $0x3  }
0xf: {  	_ =	swait.ge @!p0 [sflag:s14], $0x800  }
0x10: {  	s17 =	sadd.s32 $0x0, s5;
	s15 =	simm.s32 $0x100;
	[sflag:s14] =	ssyncset.done @!p0 $0x0  }
0x11: {  	s16 =	simm.s32 $0x0;
	[sflag:s14] =	ssyncadd.s32 @!p0 $0xFFFFF800;
	s14 =	simm.s32 $0x10  }
.LBB2_2:
0x12: {  	[tilespmem:s16], [sflag:$0x1] =	stream.linear.gather [hbm4b:s17+s2], $0x80, $0x38;
	[tilespmem:$0xFE00] =	vst v63  }
0x13: {  	s17 =	smov.u32 s14;
	s16 =	smov.u32 s15;
	p1 =	sne.s32 s14, $0xFD0  }
.Ltmp0:
0x14: {  	s14 =	sadd.s32 $0x10, s14;
	(pc) =	sbr.rel @p1 .LBB2_2-.Ltmp0, $2  }
0x15: {  	_ =	sdelay $0x2  }
0x16: {  	s15 =	sadd.s32 $0x100, s15;
	s17 =	sadd.s32 s17, s5  }
0x17: {  	[tilespmem:s16], [sflag:$0x1] =	stream.linear.gather [hbm4b:s17+s2], $0x80, $0x38;
	[tilespmem:$0xFE00] =	vst v63  }
0x18: {  	s14 =	simm.s32 $0x80  }
0x19: {  	s15 =	simm.s32 $0x10;
	s17 =	sadd.s32 $0x0, s6;
	s16 =	simm.s32 $0x180  }
.LBB2_4:
0x1a: {  	[tilespmem:s14], [sflag:$0x2] =	stream.linear.gather [hbm4b:s17+s2], $0x80, $0x38;
	[tilespmem:$0xFE00] =	vst v63  }
0x1b: {  	s17 =	smov.u32 s15;
	s14 =	smov.u32 s16;
	p1 =	sne.s32 s15, $0xFD0  }
.Ltmp1:
0x1c: {  	s15 =	sadd.s32 $0x10, s15;
	(pc) =	sbr.rel @p1 .LBB2_4-.Ltmp1, $2  }
0x1d: {  	_ =	sdelay $0x2  }
0x1e: {  	s16 =	sadd.s32 $0x100, s16;
	s17 =	sadd.s32 s17, s6  }
0x1f: {  	[tilespmem:s14], [sflag:$0x2] =	stream.linear.gather [hbm4b:s17+s2], $0x80, $0x38;
	[tilespmem:$0xFE00] =	vst v63  }
0x20: {  	_ =	swait.ge [sflag:s11], $0x7F00  }
0x21: {  	s14 =	simm.s32 $0x0;
	s15 =	simm.s32 $0x10;
	[sflag:s11] =	ssyncset.done $0x0  }
0x22: {  	s17 =	sadd.s32 $0x0, s7;
	s16 =	simm.s32 $0x100;
	[sflag:s11] =	ssyncadd.s32 $0xFFFF8100  }
.LBB2_6:
0x23: {  	[hbm4b:s17+s2] =	stream.linear.scatter [tilespmem:s14], [sflag:$0x1], $0x80, $0x38;
	[tilespmem:$0xFE00] =	vst v63  }
0x24: {  	s17 =	smov.u32 s15;
	s14 =	smov.u32 s16;
	p1 =	sne.s32 s15, $0xFD0  }
.Ltmp2:
0x25: {  	s15 =	sadd.s32 $0x10, s15;
	(pc) =	sbr.rel @p1 .LBB2_6-.Ltmp2, $2  }
0x26: {  	_ =	sdelay $0x2  }
0x27: {  	s16 =	sadd.s32 $0x100, s16;
	s17 =	sadd.s32 s17, s7  }
0x28: {  	[hbm4b:s17+s2] =	stream.linear.scatter [tilespmem:s14], [sflag:$0x1], $0x80, $0x38;
	[tilespmem:$0xFE00] =	vst v63  }
0x29: {  	_ =	swait.ge [sflag:s12], $0x7F00  }
0x2a: {  	s14 =	simm.s32 $0x80;
	s15 =	simm.s32 $0x10;
	[sflag:s12] =	ssyncset.done $0x0  }
0x2b: {  	s17 =	sadd.s32 $0x0, s8;
	s16 =	simm.s32 $0x180;
	[sflag:s12] =	ssyncadd.s32 $0xFFFF8100  }
.LBB2_8:
0x2c: {  	[hbm4b:s17+s2] =	stream.linear.scatter [tilespmem:s14], [sflag:$0x2], $0x80, $0x38;
	[tilespmem:$0xFE00] =	vst v63  }
0x2d: {  	s17 =	smov.u32 s15;
	s14 =	smov.u32 s16;
	p1 =	sne.s32 s15, $0xFD0  }
.Ltmp3:
0x2e: {  	s15 =	sadd.s32 $0x10, s15;
	(pc) =	sbr.rel @p1 .LBB2_8-.Ltmp3, $2  }
0x2f: {  	_ =	sdelay $0x2  }
0x30: {  	s16 =	sadd.s32 $0x100, s16;
	s17 =	sadd.s32 s17, s8  }
0x31: {  	[hbm4b:s17+s2] =	stream.linear.scatter [tilespmem:s14], [sflag:$0x2], $0x80, $0x38;
	[tilespmem:$0xFE00] =	vst v63  }
0x32: {  	s13 =	sadd.s32 $0x1, s13  }
0x33: {  	_ =	swait.ge [sflag:s11], $0x7F00;
	p1 =	sne.s32 s13, s9  }
.Ltmp4:
0x34: {  	[sflag:s11] =	ssyncset.done $0x0;
	(pc) =	sbr.rel @p1 .LBB2_1-.Ltmp4, $4  }
0x35: {  	[sflag:s11] =	ssyncadd.s32 $0xFFFF8100  }
0x36: {  	_ =	swait.ge [sflag:s12], $0x7F00  }
0x37: {  	[sflag:s12] =	ssyncset.done $0x0  }
0x38: {  	[sflag:s12] =	ssyncadd.s32 $0xFFFF8100  }
0x39: {  	_ =	sfence.sel $0x180000  }
0x3a: {  	[bflag:$0x0] =	sbarrier.arrive $0xFFFF  }
0x3b: {  	p0 =	sne.s32 s0, $0x0;
	_ =	strace $0x90000047  }
0x3c: {  	s0 =	sadd.s32 @!p0 $0x100000, s1;
	[bflag:$0x2] =	sbarrier.arrive $0xFFFF  }
0x3d: {  	[sflag:s0] =	ssyncadd.tile.s32 @!p0 $0x1;
	_ =	shalt  }
.Lfunc_end2:
_tile_overlayer_lowered:
.L_overlay_start_2:
0x3e: {  	(tag) =	ssettag $0x2  }
0x3f: {  	s0 =	rddreg [dreg:$0x0];
	s2 =	stileid.u32  }
0x40: {  	s1 =	rddreg [dreg:$0x1];
	p0 =	sne.s32 s2, $0x0  }
0x41: {  	s3 =	rddreg [dreg:$0x2];
	[bflag:$0x3] =	sbarrier.arrive $0xFFFF;
	s2 =	simm.s32 @!p0 $0x1C04  }
0x42: {  	[timem:s3], [sflag:s2] =	dma.local @!p0 [hbm:s0], s1  }
0x43: {  	s0 =	simm.s32 @!p0 $0x4  }
0x44: {  	_ =	swait.ge @!p0 [sflag:s0], s1  }
0x45: {  	s1 =	ssub.s32 @!p0 $0x0, s1;
	[sflag:s0] =	ssyncset.done @!p0 $0x0  }
0x46: {  	[sflag:s0] =	ssyncadd.s32 @!p0 s1  }
0x47: {  	[bflag:$0x3] =	sbarrier.arrive $0xFFFF  }
0x48: {  	_ =	shalt  }

</sc_bundles>
